<compile_context>
chip_gen: v7x
topology: tpu7x:2x2x1
jax: 0.10.2.dev20260603
libtpu: 0.0.44.dev20260713+nightly
codegen_flags: <defaults>
</compile_context>

<pallas_src>
import functools

import jax
import jax.numpy as jnp
from jax import lax
from jax.experimental import pallas as pl
from jax.experimental.pallas import tpu as pltpu
from jax.experimental.pallas import tpu_sc as plsc

NC = 2
NS = 16
NW = NC * NS
L = 16


def _cdiv(a, b):
    return (a + b - 1) // b


def kernel(x, edge_index, relations, injection_node, node_batch,
           injection_node_batch, edge_attr):
    n, d = x.shape
    e = edge_index.shape[1]
    r, ed = relations.shape
    b = injection_node.shape[0]
    idt = edge_index.dtype
    en = e + n

    cx = _cdiv(n, NW)
    cx += (-cx) % 8

    mesh = plsc.VectorSubcoreMesh(core_axis_name="c", subcore_axis_name="s",
                                  num_cores=NC, num_subcores=NS)

    @functools.partial(
        pl.kernel,
        out_type=jax.ShapeDtypeStruct((n,), idt),
        mesh=mesh,
        compiler_params=pltpu.CompilerParams(needs_layout_passes=False),
        scratch_types=[
            pltpu.VMEM((cx,), jnp.int32),
            pltpu.VMEM((b,), jnp.int32),
            pltpu.VMEM((cx,), jnp.int32),
            pltpu.SemaphoreType.DMA,
            pltpu.SemaphoreType.DMA,
        ],
    )
    def sc_gather(nb_h, inb_h, src_h, nb_v, tbl_v, src_v, sem_s, sem_out):
        wid = lax.axis_index("s") * NC + lax.axis_index("c")
        s = jnp.minimum(wid * cx, n - cx)
        h_in = [
            pltpu.async_copy(nb_h.at[pl.ds(s, cx)], nb_v, sem_s),
            pltpu.async_copy(inb_h, tbl_v, sem_s),
        ]
        for h in h_in:
            h.wait()

        def srcfill(j, _):
            o = j * L
            idx = nb_v[pl.ds(o, L)]
            src_v[pl.ds(o, L)] = plsc.load_gather(tbl_v, [idx]) + n
            return 0
        lax.fori_loop(0, cx // L, srcfill, 0)

        pltpu.async_copy(src_v, src_h.at[pl.ds(s, cx)], sem_out).wait()

    src_row = sc_gather(node_batch, injection_node_batch)

    CR = 5000
    nxb = n // CR
    NG = _cdiv(n + b, CR)
    CRI = 4096
    CEI = 112640
    ea2 = edge_attr.reshape(1, ed)

    def a_body(x_ref, inj_ref, rel_ref, ea_ref,
               o_ref, xinj_ref, relo_ref, rinj_ref, einj_ref):
        j = pl.program_id(0)
        pad = jnp.zeros((CR - b, d), x_ref.dtype)
        inj_full = jnp.concatenate([inj_ref[...], pad], axis=0)
        o_ref[...] = jnp.where(j < nxb, x_ref[...], inj_full)
        rowg = jax.lax.broadcasted_iota(jnp.int32, (CRI,), 0) + j * CRI
        xinj_ref[...] = jnp.where(rowg < n, 0, 1).astype(jnp.int32)
        relo_ref[...] = jnp.concatenate([rel_ref[...], ea_ref[...]], axis=0)
        ri = jax.lax.broadcasted_iota(jnp.int32, (r + 1,), 0)
        rinj_ref[...] = jnp.where(ri < r, 0, 1).astype(jnp.int32)
        colg = jax.lax.broadcasted_iota(jnp.int32, (CEI,), 0) + j * CEI
        einj_ref[...] = jnp.where(colg < e, 0, 1).astype(jnp.int32)

    x_out, x_inj, rel_out, r_inj, e_inj = pl.pallas_call(
        a_body,
        grid=(NG,),
        in_specs=[
            pl.BlockSpec((CR, d), lambda i: (jnp.minimum(i, nxb - 1), 0)),
            pl.BlockSpec((b, d), lambda i: (0, 0)),
            pl.BlockSpec((r, ed), lambda i: (0, 0)),
            pl.BlockSpec((1, ed), lambda i: (0, 0)),
        ],
        out_specs=[
            pl.BlockSpec((CR, d), lambda i: (i, 0)),
            pl.BlockSpec((CRI,), lambda i: (i,)),
            pl.BlockSpec((r + 1, ed), lambda i: (0, 0)),
            pl.BlockSpec((r + 1,), lambda i: (0,)),
            pl.BlockSpec((CEI,), lambda i: (i,)),
        ],
        out_shape=[
            jax.ShapeDtypeStruct((n + b, d), x.dtype),
            jax.ShapeDtypeStruct((n + b,), jnp.int32),
            jax.ShapeDtypeStruct((r + 1, ed), relations.dtype),
            jax.ShapeDtypeStruct((r + 1,), jnp.int32),
            jax.ShapeDtypeStruct((en,), jnp.int32),
        ],
        compiler_params=pltpu.CompilerParams(
            dimension_semantics=("arbitrary",)),
    )(x, injection_node, relations, ea2)

    CT = _cdiv(_cdiv(en, 2), 128) * 128
    nfull = e // CT
    TPAD = n + (-n) % 128
    seam = e - nfull * CT
    assert CT > n and seam % 128 == 0 and seam + TPAD <= CT

    def c_body(ei_ref, src_ref, o_ref):
        j = pl.program_id(0)
        o_ref[...] = ei_ref[...]

        @pl.when(j == nfull)
        def _():
            rowi = jax.lax.broadcasted_iota(idt, (3, TPAD), 0)
            ti = jax.lax.broadcasted_iota(idt, (3, TPAD), 1)
            spad = jnp.concatenate(
                [src_ref[...], jnp.zeros((TPAD - n,), idt)]).reshape(1, TPAD)
            srow = jnp.broadcast_to(spad, (3, TPAD))
            o_ref[:, pl.ds(seam, TPAD)] = jnp.where(
                rowi == 0, srow,
                jnp.where(rowi == 1, jnp.full((3, TPAD), r, idt), ti))

    eio = pl.pallas_call(
        c_body,
        grid=(_cdiv(en, CT),),
        in_specs=[
            pl.BlockSpec((3, CT),
                         lambda i: (0, jnp.minimum(i, _cdiv(e, CT) - 1))),
            pl.BlockSpec((n,), lambda i: (0,)),
        ],
        out_specs=pl.BlockSpec((3, CT), lambda i: (0, i)),
        out_shape=jax.ShapeDtypeStruct((3, en), idt),
        compiler_params=pltpu.CompilerParams(
            dimension_semantics=("arbitrary",)),
    )(edge_index, src_row)

    return (x_out, eio, rel_out, x_inj, e_inj, r_inj)

# --- scband reference (transcript-rebuilt; emitter-appended) ---
"""Pipeline reference for scband-injector-70300024701695 (READ-ONLY COPY).

The authoritative reference and input builder live on the scoring server;
editing this copy changes nothing except your own understanding.
"""

import jax, jax.numpy as jnp
import numpy as np

N = 10000
E = 320000
D = 128
R = 16
ED = 16
B = 256


def setup_inputs(seed: int = 0) -> dict:
    key = jax.random.key(seed)
    k1, k2, k3, k4, k5, k6 = jax.random.split(key, 6)
    x = jax.random.normal(k1, (N, D), dtype=jnp.float32)
    edge_index = jax.random.randint(k2, (3, E), 0, N, dtype=jnp.int32)
    relations = jax.random.normal(k3, (R, ED), dtype=jnp.float32)
    injection_node = jax.random.normal(k4, (B, D), dtype=jnp.float32)
    node_batch = jnp.sort(jax.random.randint(k5, (N,), 0, B, dtype=jnp.int32))
    injection_node_batch = jnp.arange(B, dtype=jnp.int32)
    # learned parameter from __init__: self.edge_attr = Parameter(randn(edge_dim))
    edge_attr = jax.random.normal(k6, (ED,), dtype=jnp.float32)
    return {
        'x': x,
        'edge_index': edge_index,
        'relations': relations,
        'injection_node': injection_node,
        'node_batch': node_batch,
        'injection_node_batch': injection_node_batch,
        'edge_attr': edge_attr,
    }


def reference(x, edge_index, relations, injection_node, node_batch, injection_node_batch, edge_attr):
    n = x.shape[0]
    x_out = jnp.concatenate([x, injection_node], axis=0)
    relations_out = jnp.concatenate([relations, edge_attr[None, :]], axis=0)
    # gather: injection_node_batch[node_batch]
    src_index = jnp.take(injection_node_batch, node_batch) + n
    rel_index = jnp.full((n,), relations.shape[0], dtype=edge_index.dtype)
    tgt_index = jnp.arange(n, dtype=edge_index.dtype)
    new_edges = jnp.stack([src_index.astype(edge_index.dtype), rel_index, tgt_index])
    edge_index_out = jnp.concatenate([edge_index, new_edges], axis=1)
    x_is_injected = jnp.concatenate([
        jnp.zeros(n, dtype=jnp.float32), jnp.ones(injection_node.shape[0], dtype=jnp.float32)
    ], axis=0).astype(jnp.int32)
    edge_is_injected = jnp.concatenate([
        jnp.zeros(edge_index.shape[1], dtype=jnp.float32), jnp.ones(n, dtype=jnp.float32)
    ], axis=0).astype(jnp.int32)
    relations_is_injected = jnp.concatenate([
        jnp.zeros(relations.shape[0], dtype=jnp.float32), jnp.ones(1, dtype=jnp.float32)
    ], axis=0).astype(jnp.int32)
    return (x_out, edge_index_out, relations_out, x_is_injected, edge_is_injected, relations_is_injected)

if __name__ == "__main__":
    import jax
    _d = setup_inputs()
    print(jax.jit(kernel)(*tuple(_d.values())))

</pallas_src>

<mosaic_0001>
#map = affine_map<(d0, d1) -> (0)>
module attributes {stable_mosaic.version = 14 : i64} {
  func.func @sc_gather(%arg0: i32, %arg1: i32, %arg2: memref<10000xi32, #tpu.memory_space<hbm>>, %arg3: memref<256xi32, #tpu.memory_space<hbm>>, %arg4: memref<10000xi32, #tpu.memory_space<hbm>>, %arg5: memref<320xi32, #tpu.memory_space<vmem>>, %arg6: memref<256xi32, #tpu.memory_space<vmem>>, %arg7: memref<320xi32, #tpu.memory_space<vmem>>, %arg8: memref<!tpu.dma_semaphore, #tpu.memory_space<semaphore_mem>>, %arg9: memref<!tpu.dma_semaphore, #tpu.memory_space<semaphore_mem>>) attributes {dimension_semantics = [#tpu.dimension_semantics<core_parallel>, #tpu.dimension_semantics<subcore_parallel>], iteration_bounds = array<i64: 2, 16>, scalar_prefetch = 0 : i64, scratch_operands = 5 : i64, tpu.core_type = #tpu.core_type<sc_vector_subcore>, window_params = [{transform_indices = #map}, {transform_indices = #map}, {transform_indices = #map}]} {
    %mul3A = arith.constant 2 : i32
    %mul3A_0 = arith.muli %arg1, %mul3A : i32
    %add3A = arith.addi %mul3A_0, %arg0 : i32
    %mul3A_1 = arith.constant 320 : i32
    %mul3A_2 = arith.muli %add3A, %mul3A_1 : i32
    %min3A = arith.constant 9680 : i32
    %min3A_3 = arith.minsi %mul3A_2, %min3A : i32
    %dma_start3A = tpu.memref_slice %arg2[%min3A_3] : memref<10000xi32, #tpu.memory_space<hbm>> -> memref<320xi32, #tpu.memory_space<hbm>>
    %dma_start3A_4 = tpu.memref_slice %arg2[%min3A_3] : memref<10000xi32, #tpu.memory_space<hbm>> -> memref<320xi32, #tpu.memory_space<hbm>>
    tpu.enqueue_dma source(%dma_start3A_4 : memref<320xi32, #tpu.memory_space<hbm>>) target(%arg5 : memref<320xi32, #tpu.memory_space<vmem>>) target_semaphore(%arg8 : memref<!tpu.dma_semaphore, #tpu.memory_space<semaphore_mem>>)
    tpu.enqueue_dma source(%arg3 : memref<256xi32, #tpu.memory_space<hbm>>) target(%arg6 : memref<256xi32, #tpu.memory_space<vmem>>) target_semaphore(%arg8 : memref<!tpu.dma_semaphore, #tpu.memory_space<semaphore_mem>>)
    %dma_wait3A = tpu.memref_slice %arg2[%min3A_3] : memref<10000xi32, #tpu.memory_space<hbm>> -> memref<320xi32, #tpu.memory_space<hbm>>
    %dma_wait3A_5 = tpu.memref_slice %arg2[%min3A_3] : memref<10000xi32, #tpu.memory_space<hbm>> -> memref<320xi32, #tpu.memory_space<hbm>>
    tpu.wait_dma2 semaphore(%arg8 : memref<!tpu.dma_semaphore, #tpu.memory_space<semaphore_mem>>) src(%dma_wait3A_5 : memref<320xi32, #tpu.memory_space<hbm>>) dst(%arg5 : memref<320xi32, #tpu.memory_space<vmem>>)
    tpu.wait_dma2 semaphore(%arg8 : memref<!tpu.dma_semaphore, #tpu.memory_space<semaphore_mem>>) src(%arg3 : memref<256xi32, #tpu.memory_space<hbm>>) dst(%arg6 : memref<256xi32, #tpu.memory_space<vmem>>)
    %scan3A = arith.constant 0 : i32
    %scan3A_6 = arith.constant 0 : i32
    %scan3A_7 = arith.constant 20 : i32
    %scan3A_8 = arith.addi %scan3A_6, %scan3A_7 : i32
    %scan3A_9 = arith.constant 1 : i32
    %scan3A_10 = scf.for %scan3A_16 = %scan3A_6 to %scan3A_8 step %scan3A_9 iter_args(%scan3A_17 = %scan3A) -> (i32)  : i32 {
      %mul3A_18 = arith.constant 16 : i32
      %mul3A_19 = arith.muli %scan3A_16, %mul3A_18 : i32
      %get3A = arith.index_cast %mul3A_19 : i32 to index
      %get3A_20 = tpu.vector_load %arg5[%get3A] {strides = array<i32>} : memref<320xi32, #tpu.memory_space<vmem>>, vector<16xi32>,
      %gather3A = tpu.vector_load_idx %arg6[%get3A_20] : memref<256xi32, #tpu.memory_space<vmem>>[vector<16xi32>], vector<16xi32>,
      %add3A_21 = arith.constant 10000 : i32
      %add3A_22 = vector.broadcast %add3A_21 : i32 to vector<16xi32>
      %add3A_23 = arith.addi %gather3A, %add3A_22 : vector<16xi32>
      %swap3A = arith.index_cast %mul3A_19 : i32 to index
      %swap3A_24 = tpu.vector_load %arg7[%swap3A] {strides = array<i32>} : memref<320xi32, #tpu.memory_space<vmem>>, vector<16xi32>,
      tpu.vector_store %arg7[%swap3A], %add3A_23 {strides = array<i32>} : memref<320xi32, #tpu.memory_space<vmem>>, vector<16xi32>,
      %scan3A_25 = arith.constant 0 : i32
      scf.yield %scan3A_25 : i32
    }
    %scan3A_11 = arith.constant 20 : i32
    %dma_start3A_12 = tpu.memref_slice %arg4[%min3A_3] : memref<10000xi32, #tpu.memory_space<hbm>> -> memref<320xi32, #tpu.memory_space<hbm>>
    %dma_start3A_13 = tpu.memref_slice %arg4[%min3A_3] : memref<10000xi32, #tpu.memory_space<hbm>> -> memref<320xi32, #tpu.memory_space<hbm>>
    tpu.enqueue_dma source(%arg7 : memref<320xi32, #tpu.memory_space<vmem>>) target(%dma_start3A_13 : memref<320xi32, #tpu.memory_space<hbm>>) target_semaphore(%arg9 : memref<!tpu.dma_semaphore, #tpu.memory_space<semaphore_mem>>)
    %dma_wait3A_14 = tpu.memref_slice %arg4[%min3A_3] : memref<10000xi32, #tpu.memory_space<hbm>> -> memref<320xi32, #tpu.memory_space<hbm>>
    %dma_wait3A_15 = tpu.memref_slice %arg4[%min3A_3] : memref<10000xi32, #tpu.memory_space<hbm>> -> memref<320xi32, #tpu.memory_space<hbm>>
    tpu.wait_dma2 semaphore(%arg9 : memref<!tpu.dma_semaphore, #tpu.memory_space<semaphore_mem>>) src(%arg7 : memref<320xi32, #tpu.memory_space<vmem>>) dst(%dma_wait3A_15 : memref<320xi32, #tpu.memory_space<hbm>>)
    return
  }
}

module attributes {stable_mosaic.version = 14 : i64} {
  func.func @a_body(%arg0: i32, %arg1: memref<5000x128xf32, #tpu.memory_space<vmem>>, %arg2: memref<256x128xf32, #tpu.memory_space<vmem>>, %arg3: memref<16x16xf32, #tpu.memory_space<vmem>>, %arg4: memref<1x16xf32, #tpu.memory_space<vmem>>, %arg5: memref<5000x128xf32, #tpu.memory_space<vmem>>, %arg6: memref<4096xi32, #tpu.memory_space<vmem>>, %arg7: memref<17x16xf32, #tpu.memory_space<vmem>>, %arg8: memref<17xi32, #tpu.memory_space<vmem>>, %arg9: memref<112640xi32, #tpu.memory_space<vmem>>) attributes {dimension_semantics = [#tpu.dimension_semantics<arbitrary>], iteration_bounds = array<i64: 3>, scalar_prefetch = 0 : i64, scratch_operands = 0 : i64, tpu.core_type = #tpu.core_type<tc>, window_params = [{transform_indices = @transform_0, window_bounds = array<i64: 5000, 128>}, {pipeline_mode = #tpu.pipeline_mode<synchronous>, transform_indices = @transform_1, window_bounds = array<i64: 256, 128>}, {pipeline_mode = #tpu.pipeline_mode<synchronous>, transform_indices = @transform_2, window_bounds = array<i64: 16, 16>}, {pipeline_mode = #tpu.pipeline_mode<synchronous>, transform_indices = @transform_3, window_bounds = array<i64: 1, 16>}, {transform_indices = @transform_4, window_bounds = array<i64: 5000, 128>}, {transform_indices = @transform_5, window_bounds = array<i64: 4096>}, {pipeline_mode = #tpu.pipeline_mode<synchronous>, transform_indices = @transform_6, window_bounds = array<i64: 17, 16>}, {pipeline_mode = #tpu.pipeline_mode<synchronous>, transform_indices = @transform_7, window_bounds = array<i64: 17>}, {transform_indices = @transform_8, window_bounds = array<i64: 112640>}]} {
    %broadcast_in_dim3A = arith.constant 0.000000e+00 : f32
    %broadcast_in_dim3A_0 = vector.broadcast %broadcast_in_dim3A : f32 to vector<4744x128xf32>
    %get3A = arith.constant 0 : index
    %get3A_1 = arith.constant 0 : index
    %get3A_2 = vector.load %arg2[%get3A, %get3A_1] : memref<256x128xf32, #tpu.memory_space<vmem>>, vector<256x128xf32>
    %concatenate3A = tpu.concatenate %get3A_2, %broadcast_in_dim3A_0 in 0 : vector<256x128xf32>, vector<4744x128xf32> -> vector<5000x128xf32>
    %lt3A = arith.constant 2 : i32
    %lt3A_3 = arith.cmpi slt, %arg0, %lt3A : i32
    %get3A_4 = arith.constant 0 : index
    %get3A_5 = arith.constant 0 : index
    %get3A_6 = vector.load %arg1[%get3A_4, %get3A_5] : memref<5000x128xf32, #tpu.memory_space<vmem>>, vector<5000x128xf32>
    %select_n3A = arith.select %lt3A_3, %get3A_6, %concatenate3A : vector<5000x128xf32>
    %swap3A = arith.constant 0 : index
    %swap3A_7 = arith.constant 0 : index
    %swap3A_8 = vector.load %arg5[%swap3A, %swap3A_7] : memref<5000x128xf32, #tpu.memory_space<vmem>>, vector<5000x128xf32>
    tpu.vector_store %arg5[%swap3A, %swap3A_7], %select_n3A {strides = array<i32>} : memref<5000x128xf32, #tpu.memory_space<vmem>>, vector<5000x128xf32>,
    %iota3A = tpu.iota {dimensions = array<i32: 1>} : vector<1x4096xi32>
    %iota3A_9 = vector.shape_cast %iota3A : vector<1x4096xi32> to vector<4096xi32>
    %mul3A = arith.constant 4096 : i32
    %mul3A_10 = arith.muli %arg0, %mul3A : i32
    %add3A = vector.broadcast %mul3A_10 : i32 to vector<4096xi32>
    %add3A_11 = arith.addi %iota3A_9, %add3A : vector<4096xi32>
    %lt3A_12 = arith.constant 10000 : i32
    %lt3A_13 = vector.broadcast %lt3A_12 : i32 to vector<4096xi32>
    %lt3A_14 = arith.cmpi slt, %add3A_11, %lt3A_13 : vector<4096xi32>
    %jit3A = arith.constant 0 : i32
    %jit3A_15 = arith.constant 1 : i32
    %broadcast_in_dim3A_16 = vector.broadcast %jit3A : i32 to vector<4096xi32>
    %broadcast_in_dim3A_17 = vector.broadcast %jit3A_15 : i32 to vector<4096xi32>
    %select_n3A_18 = arith.select %lt3A_14, %broadcast_in_dim3A_16, %broadcast_in_dim3A_17 : vector<4096xi1>, vector<4096xi32>
    %swap3A_19 = arith.constant 0 : index
    %swap3A_20 = vector.load %arg6[%swap3A_19] : memref<4096xi32, #tpu.memory_space<vmem>>, vector<4096xi32>
    tpu.vector_store %arg6[%swap3A_19], %select_n3A_18 {strides = array<i32>} : memref<4096xi32, #tpu.memory_space<vmem>>, vector<4096xi32>,
    %get3A_21 = arith.constant 0 : index
    %get3A_22 = arith.constant 0 : index
    %get3A_23 = vector.load %arg3[%get3A_21, %get3A_22] : memref<16x16xf32, #tpu.memory_space<vmem>>, vector<16x16xf32>
    %get3A_24 = arith.constant 0 : index
    %get3A_25 = arith.constant 0 : index
    %get3A_26 = vector.load %arg4[%get3A_24, %get3A_25] : memref<1x16xf32, #tpu.memory_space<vmem>>, vector<1x16xf32>
    %concatenate3A_27 = tpu.concatenate %get3A_23, %get3A_26 in 0 : vector<16x16xf32>, vector<1x16xf32> -> vector<17x16xf32>
    %swap3A_28 = arith.constant 0 : index
    %swap3A_29 = arith.constant 0 : index
    %swap3A_30 = vector.load %arg7[%swap3A_28, %swap3A_29] : memref<17x16xf32, #tpu.memory_space<vmem>>, vector<17x16xf32>
    tpu.vector_store %arg7[%swap3A_28, %swap3A_29], %concatenate3A_27 {strides = array<i32>} : memref<17x16xf32, #tpu.memory_space<vmem>>, vector<17x16xf32>,
    %iota3A_31 = tpu.iota {dimensions = array<i32: 1>} : vector<1x17xi32>
    %iota3A_32 = vector.shape_cast %iota3A_31 : vector<1x17xi32> to vector<17xi32>
    %lt3A_33 = arith.constant 16 : i32
    %lt3A_34 = vector.broadcast %lt3A_33 : i32 to vector<17xi32>
    %lt3A_35 = arith.cmpi slt, %iota3A_32, %lt3A_34 : vector<17xi32>
    %jit3A_36 = arith.constant 0 : i32
    %jit3A_37 = arith.constant 1 : i32
    %broadcast_in_dim3A_38 = vector.broadcast %jit3A_36 : i32 to vector<17xi32>
    %broadcast_in_dim3A_39 = vector.broadcast %jit3A_37 : i32 to vector<17xi32>
    %select_n3A_40 = arith.select %lt3A_35, %broadcast_in_dim3A_38, %broadcast_in_dim3A_39 : vector<17xi1>, vector<17xi32>
    %swap3A_41 = arith.constant 0 : index
    %swap3A_42 = vector.load %arg8[%swap3A_41] : memref<17xi32, #tpu.memory_space<vmem>>, vector<17xi32>
    tpu.vector_store %arg8[%swap3A_41], %select_n3A_40 {strides = array<i32>} : memref<17xi32, #tpu.memory_space<vmem>>, vector<17xi32>,
    %iota3A_43 = tpu.iota {dimensions = array<i32: 1>} : vector<1x112640xi32>
    %iota3A_44 = vector.shape_cast %iota3A_43 : vector<1x112640xi32> to vector<112640xi32>
    %mul3A_45 = arith.constant 112640 : i32
    %mul3A_46 = arith.muli %arg0, %mul3A_45 : i32
    %add3A_47 = vector.broadcast %mul3A_46 : i32 to vector<112640xi32>
    %add3A_48 = arith.addi %iota3A_44, %add3A_47 : vector<112640xi32>
    %lt3A_49 = arith.constant 320000 : i32
    %lt3A_50 = vector.broadcast %lt3A_49 : i32 to vector<112640xi32>
    %lt3A_51 = arith.cmpi slt, %add3A_48, %lt3A_50 : vector<112640xi32>
    %jit3A_52 = arith.constant 0 : i32
    %jit3A_53 = arith.constant 1 : i32
    %broadcast_in_dim3A_54 = vector.broadcast %jit3A_52 : i32 to vector<112640xi32>
    %broadcast_in_dim3A_55 = vector.broadcast %jit3A_53 : i32 to vector<112640xi32>
    %select_n3A_56 = arith.select %lt3A_51, %broadcast_in_dim3A_54, %broadcast_in_dim3A_55 : vector<112640xi1>, vector<112640xi32>
    %swap3A_57 = arith.constant 0 : index
    %swap3A_58 = vector.load %arg9[%swap3A_57] : memref<112640xi32, #tpu.memory_space<vmem>>, vector<112640xi32>
    tpu.vector_store %arg9[%swap3A_57], %select_n3A_56 {strides = array<i32>} : memref<112640xi32, #tpu.memory_space<vmem>>, vector<112640xi32>,
    return
  }
  func.func @transform_0(%arg0: i32) -> (i32, i32) {
    %min3A = arith.constant 1 : i32
    %min3A_0 = arith.minsi %arg0, %min3A : i32
    %c0_i32 = arith.constant 0 : i32
    %c0_i32_1 = arith.constant 0 : i32
    return %min3A_0, %c0_i32 : i32, i32
  }
  func.func @transform_1(%arg0: i32) -> (i32, i32) {
    %c0_i32 = arith.constant 0 : i32
    %c0_i32_0 = arith.constant 0 : i32
    %c0_i32_1 = arith.constant 0 : i32
    return %c0_i32, %c0_i32_0 : i32, i32
  }
  func.func @transform_2(%arg0: i32) -> (i32, i32) {
    %c0_i32 = arith.constant 0 : i32
    %c0_i32_0 = arith.constant 0 : i32
    %c0_i32_1 = arith.constant 0 : i32
    return %c0_i32, %c0_i32_0 : i32, i32
  }
  func.func @transform_3(%arg0: i32) -> (i32, i32) {
    %c0_i32 = arith.constant 0 : i32
    %c0_i32_0 = arith.constant 0 : i32
    %c0_i32_1 = arith.constant 0 : i32
    return %c0_i32, %c0_i32_0 : i32, i32
  }
  func.func @transform_4(%arg0: i32) -> (i32, i32) {
    %c0_i32 = arith.constant 0 : i32
    %c0_i32_0 = arith.constant 0 : i32
    return %arg0, %c0_i32 : i32, i32
  }
  func.func @transform_5(%arg0: i32) -> i32 {
    %c0_i32 = arith.constant 0 : i32
    return %arg0 : i32
  }
  func.func @transform_6(%arg0: i32) -> (i32, i32) {
    %c0_i32 = arith.constant 0 : i32
    %c0_i32_0 = arith.constant 0 : i32
    %c0_i32_1 = arith.constant 0 : i32
    return %c0_i32, %c0_i32_0 : i32, i32
  }
  func.func @transform_7(%arg0: i32) -> i32 {
    %c0_i32 = arith.constant 0 : i32
    %c0_i32_0 = arith.constant 0 : i32
    return %c0_i32 : i32
  }
  func.func @transform_8(%arg0: i32) -> i32 {
    %c0_i32 = arith.constant 0 : i32
    return %arg0 : i32
  }
}

module attributes {stable_mosaic.version = 14 : i64} {
  func.func @c_body(%arg0: i32, %arg1: memref<3x165120xi32, #tpu.memory_space<vmem>>, %arg2: memref<10000xi32, #tpu.memory_space<vmem>>, %arg3: memref<3x165120xi32, #tpu.memory_space<vmem>>) attributes {dimension_semantics = [#tpu.dimension_semantics<arbitrary>], iteration_bounds = array<i64: 2>, scalar_prefetch = 0 : i64, scratch_operands = 0 : i64, tpu.core_type = #tpu.core_type<tc>, window_params = [{transform_indices = @transform_0, window_bounds = array<i64: 3, 165120>}, {pipeline_mode = #tpu.pipeline_mode<synchronous>, transform_indices = @transform_1, window_bounds = array<i64: 10000>}, {transform_indices = @transform_2, window_bounds = array<i64: 3, 165120>}]} {
    %get3A = arith.constant 0 : index
    %get3A_0 = arith.constant 0 : index
    %get3A_1 = vector.load %arg1[%get3A, %get3A_0] : memref<3x165120xi32, #tpu.memory_space<vmem>>, vector<3x165120xi32>
    %swap3A = arith.constant 0 : index
    %swap3A_2 = arith.constant 0 : index
    %swap3A_3 = vector.load %arg3[%swap3A, %swap3A_2] : memref<3x165120xi32, #tpu.memory_space<vmem>>, vector<3x165120xi32>
    tpu.vector_store %arg3[%swap3A, %swap3A_2], %get3A_1 {strides = array<i32>} : memref<3x165120xi32, #tpu.memory_space<vmem>>, vector<3x165120xi32>,
    %eq3A = arith.constant 1 : i32
    %eq3A_4 = arith.cmpi eq, %arg0, %eq3A : i32
    %convert_element_type3A = arith.extui %eq3A_4 : i1 to i32
    %cond3A = arith.constant 0 : i32
    %cond3A_5 = arith.cmpi ne, %convert_element_type3A, %cond3A : i32
    scf.if %cond3A_5 {
      %iota3A = tpu.iota {dimensions = array<i32: 0>} : vector<3x10112xi32>
      %iota3A_6 = tpu.iota {dimensions = array<i32: 1>} : vector<3x10112xi32>
      %get3A_7 = arith.constant 0 : index
      %get3A_8 = vector.load %arg2[%get3A_7] : memref<10000xi32, #tpu.memory_space<vmem>>, vector<10000xi32>
      %broadcast_in_dim3A = arith.constant 0 : i32
      %broadcast_in_dim3A_9 = vector.broadcast %broadcast_in_dim3A : i32 to vector<112xi32>
      %concatenate3A = tpu.concatenate %get3A_8, %broadcast_in_dim3A_9 in 0 : vector<10000xi32>, vector<112xi32> -> vector<10112xi32>
      %reshape3A = vector.shape_cast %concatenate3A : vector<10112xi32> to vector<1x10112xi32>
      %broadcast_in_dim3A_10 = vector.shape_cast %reshape3A : vector<1x10112xi32> to vector<1x10112xi32>
      %broadcast_in_dim3A_11 = vector.broadcast %broadcast_in_dim3A_10 : vector<1x10112xi32> to vector<3x10112xi32>
      %eq3A_12 = arith.constant 0 : i32
      %eq3A_13 = vector.broadcast %eq3A_12 : i32 to vector<3x10112xi32>
      %eq3A_14 = arith.cmpi eq, %iota3A, %eq3A_13 : vector<3x10112xi32>
      %eq3A_15 = arith.constant 1 : i32
      %eq3A_16 = vector.broadcast %eq3A_15 : i32 to vector<3x10112xi32>
      %eq3A_17 = arith.cmpi eq, %iota3A, %eq3A_16 : vector<3x10112xi32>
      %broadcast_in_dim3A_18 = arith.constant 16 : i32
      %broadcast_in_dim3A_19 = vector.broadcast %broadcast_in_dim3A_18 : i32 to vector<3x10112xi32>
      %select_n3A = arith.select %eq3A_17, %broadcast_in_dim3A_19, %iota3A_6 : vector<3x10112xi1>, vector<3x10112xi32>
      %select_n3A_20 = arith.select %eq3A_14, %broadcast_in_dim3A_11, %select_n3A : vector<3x10112xi1>, vector<3x10112xi32>
      %swap3A_21 = arith.constant 0 : index
      %swap3A_22 = arith.constant 154880 : index
      %swap3A_23 = vector.load %arg3[%swap3A_21, %swap3A_22] : memref<3x165120xi32, #tpu.memory_space<vmem>>, vector<3x10112xi32>
      tpu.vector_store %arg3[%swap3A_21, %swap3A_22], %select_n3A_20 {strides = array<i32>} : memref<3x165120xi32, #tpu.memory_space<vmem>>, vector<3x10112xi32>,
    } else {
    }
    return
  }
  func.func @transform_0(%arg0: i32) -> (i32, i32) {
    %min3A = arith.constant 1 : i32
    %min3A_0 = arith.minsi %arg0, %min3A : i32
    %c0_i32 = arith.constant 0 : i32
    %c0_i32_1 = arith.constant 0 : i32
    return %c0_i32, %min3A_0 : i32, i32
  }
  func.func @transform_1(%arg0: i32) -> i32 {
    %c0_i32 = arith.constant 0 : i32
    %c0_i32_0 = arith.constant 0 : i32
    return %c0_i32 : i32
  }
  func.func @transform_2(%arg0: i32) -> (i32, i32) {
    %c0_i32 = arith.constant 0 : i32
    %c0_i32_0 = arith.constant 0 : i32
    return %c0_i32, %arg0 : i32, i32
  }
}

</mosaic_0001>

<sc_bundles>
// kernel: kernel.5.cloned.1.call-start
scs
__scs_entry_jumppad:
0x0: {  	(pc) =	sbr.rel $0x88, $3  }
0x1: {  	(tag) =	ssettag $0x0;
	lr =	simm.s32 $0x1  }
0x2: {  	[smem:$0x3F9A] =	sst lr;
	_ =	strace $0xD0000000  }
0x3: {  	_ = 	snop  }
0x4: {  	_ = 	snop  }
0x5: {  	_ = 	snop  }
0x6: {  	_ = 	snop  }
0x7: {  	_ = 	snop  }
__scs_overlays_trampoline_lowered:
0x8: {  	[smem:$0x3FA9] =	sst s0  }
0x9: {  	[smem:$0x3FAA] =	sst s1  }
0xa: {  	[smem:$0x3FAB] =	sst s2  }
0xb: {  	[smem:$0x3FAC] =	sst s3  }
0xc: {  	[smem:$0x3FAD] =	sst s4  }
0xd: {  	[smem:$0x3FAE] =	sst s5  }
0xe: {  	[smem:$0x3FAF] =	sst s6  }
0xf: {  	[smem:$0x3FB0] =	sst s7  }
0x10: {  	[smem:$0x3FB1] =	sst s8  }
0x11: {  	[smem:$0x3FB2] =	sst s9;
	s0 =	simm.s32 @!p0 $0x0  }
0x12: {  	s1 =	sld [smem:$0x3F98];
	s0 =	simm.s32 @p0 $0x1  }
0x13: {  	[smem:$0x3FB3] =	sst s0;
	s0 =	simm.s32 @!p1 $0x0  }
0x14: {  	s2 =	sld [smem:$0x3F97];
	s0 =	simm.s32 @p1 $0x1  }
0x15: {  	[smem:$0x3FB4] =	sst s0;
	s0 =	simm.s32 @!p2 $0x0  }
0x16: {  	s3 =	sld [smem:$0x3FDB];
	s0 =	simm.s32 @p2 $0x1  }
0x17: {  	s4 =	simm.s32 $0x1BF5;
	[smem:$0x3FB6] =	sst s0  }
0x18: {  	s0 =	sld [smem:$0x3F99];
	_ =	swait.ge [sflag:s4], $0x0  }
0x19: {  	s7 =	sld [smem:$0x3F9A]  }
0x1a: {  	s8 =	sadd.s32 $0xFFFFE003, lr  }
0x1b: {  	s9 =	sadd.s32 $0xFFFFFEF7, lr;
	s5 =	simm.s32 $0xFFFFFFFF;
	p2 =	slt.u32 s8, $0xFFFFF086  }
0x1c: {  	p1 =	slt.u32 s9, $0xF7A;
	s5 =	simm.s32 @!p2 $0x0  }
0x1d: {  	s5 =	simm.s32 @p1 $0x1;
	p0 =	seq.s32 s7, s2  }
0x1e: {  	s7 =	smul.u32 @!p0 $0xF7A, s2;
	p2 =	seq.s32 @!p0 s5, $0x0  }
0x1f: {  	s9 =	smul.u32 $0xF7A, s1;
	s8 =	simm.s32 @!p0 $0x1BF5;
	p2 =	por !p2, p0  }
0x20: {  	[sflag:s8] =	ssyncset.s32 @!p0 $0xFFFFF086;
	s6 =	sadd.s32 @!p0 s3, s7;
	s7 =	simm.s32 @!p0 $0x108  }
0x21: {  	s3 =	sadd.s32 s3, s9;
	s6 =	sadd.s32 @!p0 $0x88, s6;
	s7 =	simm.s32 @p2 $0x1082  }
0x22: {  	[simem:s7], [sflag:s8] =	dma.local @!p0 [hbm:s6], $0xF7A  }
0x23: {  	s9 =	sor.u32 $0xD0000000, s2;
	s6 =	simm.s32 $0x108;
	_ =	swait.ge @!p0 [sflag:s8], $0x0  }
0x24: {  	s3 =	sadd.s32 $0x88, s3;
	s6 =	simm.s32 @!p1 $0x1082;
	[sflag:s4] =	ssyncset.s32 $0xFFFFF086  }
0x25: {  	[simem:s6], [sflag:s4] =	dma.local [hbm:s3], $0xF7A  }
0x26: {  	[smem:$0x3F9A] =	sst s1;
	(tag) =	ssettag s2;
	_ =	strace s9  }
0x27: {  	s1 =	sld [smem:$0x3FAA]  }
0x28: {  	s2 =	sld [smem:$0x3FAB]  }
0x29: {  	s4 =	sld [smem:$0x3FAD]  }
0x2a: {  	p0 =	seq.s32 s5, $0x0;
	s5 =	sld [smem:$0x3FAE]  }
0x2b: {  	s6 =	sld [smem:$0x3FAF]  }
0x2c: {  	s7 =	sld [smem:$0x3FB0]  }
0x2d: {  	s3 =	simm.s32 $0x108;
	s8 =	sld [smem:$0x3FB1]  }
0x2e: {  	s3 =	simm.s32 @!p0 $0x1082;
	s9 =	sld [smem:$0x3FB2]  }
0x2f: {  	lr =	sadd.s32 s0, s3;
	s0 =	sld [smem:$0x3FA9]  }
0x30: {  	s3 =	sld [smem:$0x3FAC]  }
0x31: {  	[smem:$0x3FB5] =	sst s10  }
0x32: {  	s10 =	sld [smem:$0x3FB3];
	_ =	sdelay $0x3  }
0x33: {  	p0 =	seq.s32 s10, $0x1;
	s10 =	sld [smem:$0x3FB5];
	_ =	sdelay $0x3  }
0x34: {  	[smem:$0x3FB5] =	sst s10  }
0x35: {  	s10 =	sld [smem:$0x3FB4];
	_ =	sdelay $0x3  }
0x36: {  	p1 =	seq.s32 s10, $0x1;
	s10 =	sld [smem:$0x3FB5];
	_ =	sdelay $0x3  }
0x37: {  	[smem:$0x3FB5] =	sst s10  }
0x38: {  	s10 =	sld [smem:$0x3FB6]  }
0x39: {  	_ = 	snop;
	(pc) =	sbr.ind lr, $3  }
0x3a: {  	_ = 	snop  }
0x3b: {  	_ = 	snop  }
0x3c: {  	p2 =	seq.s32 s10, $0x1;
	s10 =	sld [smem:$0x3FB5]  }
0x3d: {  	_ =	shalt  }
0x3e: {  	_ =	shalt  }
0x3f: {  	_ =	shalt  }
0x40: {  	_ =	shalt  }
0x41: {  	_ =	shalt  }
0x42: {  	_ =	shalt  }
0x43: {  	_ =	shalt  }
0x44: {  	_ =	shalt  }
0x45: {  	_ =	shalt  }
0x46: {  	_ =	shalt  }
0x47: {  	_ =	shalt  }
0x48: {  	_ =	shalt  }
0x49: {  	_ =	shalt  }
0x4a: {  	_ =	shalt  }
0x4b: {  	_ =	shalt  }
0x4c: {  	_ =	shalt  }
0x4d: {  	_ =	shalt  }
0x4e: {  	_ =	shalt  }
0x4f: {  	_ =	shalt  }
0x50: {  	_ =	shalt  }
0x51: {  	_ =	shalt  }
0x52: {  	_ =	shalt  }
0x53: {  	_ =	shalt  }
0x54: {  	_ =	shalt  }
0x55: {  	_ =	shalt  }
0x56: {  	_ =	shalt  }
0x57: {  	_ =	shalt  }
0x58: {  	_ =	shalt  }
0x59: {  	_ =	shalt  }
0x5a: {  	_ =	shalt  }
0x5b: {  	_ =	shalt  }
0x5c: {  	_ =	shalt  }
0x5d: {  	_ =	shalt  }
0x5e: {  	_ =	shalt  }
0x5f: {  	_ =	shalt  }
0x60: {  	_ =	shalt  }
0x61: {  	_ =	shalt  }
0x62: {  	_ =	shalt  }
0x63: {  	_ =	shalt  }
0x64: {  	_ =	shalt  }
0x65: {  	_ =	shalt  }
0x66: {  	_ =	shalt  }
0x67: {  	_ =	shalt  }
0x68: {  	_ =	shalt  }
0x69: {  	_ =	shalt  }
0x6a: {  	_ =	shalt  }
0x6b: {  	_ =	shalt  }
0x6c: {  	_ =	shalt  }
0x6d: {  	_ =	shalt  }
0x6e: {  	_ =	shalt  }
0x6f: {  	_ =	shalt  }
0x70: {  	_ =	shalt  }
0x71: {  	_ =	shalt  }
0x72: {  	_ =	shalt  }
0x73: {  	_ =	shalt  }
0x74: {  	_ =	shalt  }
0x75: {  	_ =	shalt  }
0x76: {  	_ =	shalt  }
0x77: {  	_ =	shalt  }
0x78: {  	_ =	shalt  }
0x79: {  	_ =	shalt  }
0x7a: {  	_ =	shalt  }
0x7b: {  	_ =	shalt  }
0x7c: {  	_ =	shalt  }
0x7d: {  	_ =	shalt  }
0x7e: {  	_ =	shalt  }
0x7f: {  	_ =	shalt  }
0x80: {  	_ =	shalt  }
0x81: {  	_ =	shalt  }
0x82: {  	_ =	shalt  }
0x83: {  	_ =	shalt  }
0x84: {  	_ =	shalt  }
0x85: {  	_ =	shalt  }
0x86: {  	_ =	shalt  }
0x87: {  	_ =	shalt  }
.Lfunc_end0:
.L_simem_size_0:
called_computation_lowered:
.L_overlay_start_0:
0x88: {  	s2 =	sld [smem:$0x3FD9]  }
0x89: {  	s3 =	sld [smem:$0x3FFE];
	_ =	sdelay $0x1  }
0x8a: {  	s1 =	srdreg.scid  }
0x8b: {  	s0 =	sand.u32 $0x1, s1  }
0x8c: {  	s15 =	sshll.u32 s0, $0xA;
	s2 =	sadd.s32 s3, s2  }
0x8d: {  	s2 =	sadd.s32 s2, s15  }
0x8e: {  	[smem:$0x3FC1] =	sst s2  }
0x8f: {  	_ = 	snop  }
0x90: {  	s2 =	sld [smem:$0x3FD0];
	_ =	sdelay $0x1  }
0x91: {  	s16 =	sld [smem:$0x3FC5]  }
0x92: {  	s5 =	simm.s32 $0xA;
	s6 =	simm.s32 $0x10;
	s4 =	sld [smem:$0x3FC4]  }
0x93: {  	[smem:s6], [sflag:s5] =	dma.local [hbm:s2], $0x1  }
0x94: {  	_ =	swait.eq [sflag:s5], $0x1  }
0x95: {  	[sflag:s5] =	ssyncset.done $0x0  }
0x96: {  	[sflag:s5] =	ssyncadd.s32 $0xFFFFFFFF  }
0x97: {  	s17 =	sld [smem:$0x11];
	(tm) =	ssettm $0x1  }
0x98: {  	s18 =	sld [smem:$0x3FFB];
	_ =	sdelay $0x3  }
0x99: {  	_ =	strace s18  }
0x9a: {  	s5 =	sld [smem:$0x3FFC];
	_ =	sdelay $0x3  }
0x9b: {  	_ =	strace s5  }
0x9c: {  	s5 =	sld [smem:$0x3FFD];
	_ =	sdelay $0x3  }
0x9d: {  	_ =	strace s5  }
0x9e: {  	_ =	strace $0x8FFFFFFF  }
0x9f: {  	s19 =	sld [smem:$0x3FDB];
	_ =	sdelay $0x1  }
0xa0: {  	s20 =	simm.s32 $_scs_section_size  }
0xa1: {  	s7 =	simm.s32 $_size__tile_overlayer_lowered;
	s8 =	simm.s32 $_tile_overlayer_lowered  }
0xa2: {  	s23 =	simm.s32 $0x1BFF;
	s22 =	sshll.u32 s8, $0x1;
	s5 =	sadd.s32 s20, s19  }
0xa3: {  	s9 =	simm.s32 $0x0;
	s21 =	sshll.u32 s7, $0x1;
	s7 =	sadd.s32 s22, s5  }
0xa4: {  	[timem:s9], [sflag:s23] =	dma.local [hbm:s7], s21  }
0xa5: {  	_ =	swait.ge [sflag:s23], s21  }
0xa6: {  	s6 =	ssub.s32 $0x0, s21;
	[sflag:s23] =	ssyncset.done $0x0  }
0xa7: {  	[sflag:s23] =	ssyncadd.s32 s6;
	_ =	sdelay $0x1  }
0xa8: {  	s24 =	simm.s32 $0x1B8B  }
0xa9: {  	_ =	swait.ge [sflag:s24], $0x1  }
0xaa: {  	[sflag:s24] =	ssyncset.done $0x0  }
0xab: {  	s25 =	simm.s32 $0x1B8E;
	[sflag:s24] =	ssyncadd.s32 $0xFFFFFFFF  }
0xac: {  	s26 =	simm.s32 $execute0_lowered;
	[smem:$0x3FD2] =	sst s25  }
0xad: {  	s6 =	sshll.u32 s26, $0x1;
	_ =	strace $0x80000046;
	[dreg:$0x1] =	wrdreg $0xFFFFFFFF  }
0xae: {  	s28 =	simm.s32 $_size_execute0_lowered;
	s5 =	sadd.s32 s5, s6;
	[dreg:$0x0] =	wrdreg $0x0  }
0xaf: {  	s6 =	sshll.u32 s28, $0x1;
	[dreg:$0x2] =	wrdreg s5  }
0xb0: {  	[dreg:$0x3] =	wrdreg s6  }
0xb1: {  	[dreg:$0x4] =	wrdreg $0xC0  }
0xb2: {  	_ =	task [dreg:s9], $0x5FFFF  }
0xb3: {  	[dreg:$0x1] =	wrdreg $0xFFFFFFFF  }
0xb4: {  	[dreg:$0x0] =	wrdreg $0x60  }
0xb5: {  	[dreg:$0x2] =	wrdreg s16  }
0xb6: {  	[dreg:$0x3] =	wrdreg s4  }
0xb7: {  	[dreg:$0x4] =	wrdreg s17  }
0xb8: {  	[dreg:$0x5] =	wrdreg $0x9  }
0xb9: {  	_ =	task.clear_ibuf [dreg:s9], $0x6FFFF;
	_ =	strace $0x90000046  }
0xba: {  	s29 =	simm.s32 $0x9;
	_ =	strace $0x80000048  }
0xbb: {  	_ =	swait.ge [sflag:s29], $0x1  }
0xbc: {  	[sflag:s29] =	ssyncadd.s32 $0xFFFFFFFF  }
0xbd: {  	_ =	strace $0x90000048  }
0xbe: {  	_ =	sfence  }
0xbf: {  	s30 =	sld [smem:$0x0];
	_ =	sdelay $0x2  }
0xc0: {  	s31 =	sshll.u32 s1, $0xD;
	s1 =	sshrl.u32 s1, $0x2  }
0xc1: {  	s3 =	sand.u32 $0x4000, s31;
	s1 =	sadd.s32 s1, s30  }
0xc2: {  	s0 =	sor.u32 s3, s0;
	s1 =	sshll.u32 s1, $0x11  }
0xc3: {  	s0 =	sor.u32 s1, s0  }
0xc4: {  	s0 =	sadd.s32 $0x8F2B, s0  }
0xc5: {  	[sflag:s0] =	ssyncadd.remote.s32 $0x1  }
0xc6: {  	_ =	sfence.sel $0xFFFF  }
0xc7: {  	[dreg:$0x0] =	wrdreg $0xFFFFFFFF;
	(pc) =	sbr.abs _section_cstart, $3  }
0xc8: {  	[dreg:$0x1] =	wrdreg $0xFFFFFFFF  }
0xc9: {  	_ =	task.clear_ibuf [dreg:s9], $0x2FFFF;
	_ =	strace $0x9FFFFFFF  }
0xca: {  	(tm) =	ssettm $0x7FFFFFFF  }
0xcb: {  	_ =	shalt  }
tec
execute0_lowered:
.L_overlay_start_1:
0x0: {  	(tag) =	ssettag $0x1  }
0x1: {  	s1 =	srdreg.scid  }
0x2: {  	s0 =	stileid.u32;
	s4 =	rddreg [dreg:$0x0]  }
0x3: {  	s2 =	rddreg [dreg:$0x1];
	s5 =	sand.u32 $0x1, s1;
	s31 =	sshll.u32 s0, $0x1  }
0x4: {  	s6 =	rddreg [dreg:$0x2];
	s1 =	sor.u32 s5, s31  }
0x5: {  	s3 =	simm.s32 $0x0;
	s9 =	simm.s32 $0x280;
	s7 =	smul.u32 $0x140, s1  }
0x6: {  	s10 =	simm.s32 $0x2;
	s11 =	simm.s32 $0x0;
	[smem:$0x7FF] =	sst s3  }
0x7: {  	s5 =	ssub.s32 $0x2, s5;
	s1 =	rddreg [dreg:$0x3];
	s7 =	smin.u32 s7, $0x25D0  }
0x8: {  	_ =	strace $0x80000047;
	s8 =	sshrl.u32 s5, $0x1;
	s7 =	sshrl.u32 s7, $0x3  }
0x9: {  	s8 =	ssub.s32 s5, s8;
	s4 =	sadd.s32 s4, s7;
	s5 =	sadd.s32 s6, s7  }
0xa: {  	s6 =	smax.u32 s8, $0x1;
	s7 =	simm.s32 $0x180;
	s8 =	simm.s32 $0x1  }
.LBB2_1:
0xb: {  	[tilespmem:s3], [sflag:$0x1] =	stream.linear.gather [hbm4b:s4+s3], $0x140, $0x38;
	[tilespmem:$0x400] =	vst v63  }
0xc: {  	_ = 	snop  }
0xd: {  	[tilespmem:s7], [sflag:$0x1] =	stream.linear.gather [hbm4b:s2+s3], $0x100, $0x38;
	[tilespmem:$0x400] =	vst v63  }
0xe: {  	_ =	swait.ge [sflag:s8], $0x140  }
0xf: {  	[sflag:s8] =	ssyncset.done $0x0  }
0x10: {  	[sflag:s8] =	ssyncadd.s32 $0xFFFFFEC0  }
0x11: {  	_ =	swait.ge [sflag:s8], $0x100  }
0x12: {  	[sflag:s8] =	ssyncset.done $0x0  }
0x13: {  	s12 =	simm.s32 $0x0;
	[sflag:s8] =	ssyncadd.s32 $0xFFFFFF00  }
0x14: {  	v0 =	vld [tilespmem:s12+$0x0];
	_ =	sdelay $0x7  }
0x15: {  	s13 =	simm.s32 $0x10;
	s14 =	simm.s32 $0x80;
	v0 =	vld.idx.msk [tilespmem:v0+s7+$0x0], $0xffff  }
.LBB2_2:
0x16: {  	p0 =	sne.s32 s14, $0x4C0;
	v1 =	vld [tilespmem:s13+$0x0];
	_ =	sdelay $0x3  }
.Ltmp0:
0x17: {  	(pc) =	sbr.rel @p0 .LBB2_2-.Ltmp0, $3  }
0x18: {  	v0 =	vadd.s32 $0x2710, v0  }
0x19: {  	[tilespmem:s12+$0x280] =	vst v0;
	s12 =	smov.u32 s13;
	_ =	sdelay $0x1  }
0x1a: {  	s13 =	sshra.s32 s14, $0x2;
	s14 =	sadd.s32 $0x40, s14;
	v0 =	vld.idx.msk [tilespmem:v1+s7+$0x0], $0xffff  }
0x1b: {  	v1 =	vld [tilespmem:s13+$0x0];
	_ =	sdelay $0x5  }
0x1c: {  	v0 =	vadd.s32 $0x2710, v0  }
0x1d: {  	[tilespmem:s12+$0x280] =	vst v0  }
0x1e: {  	v0 =	vld.idx.msk [tilespmem:v1+s7+$0x0], $0xffff;
	_ =	sdelay $0x3  }
0x1f: {  	s11 =	sadd.s32 $0x1, s11  }
0x20: {  	p0 =	sne.s32 s11, s6;
	v0 =	vadd.s32 $0x2710, v0  }
.Ltmp1:
0x21: {  	[tilespmem:s13+$0x280] =	vst v0;
	(pc) =	sbr.rel @p0 .LBB2_1-.Ltmp1, $4  }
0x22: {  	[hbm4b:s5+s3] =	stream.linear.scatter [tilespmem:s9], [sflag:$0x2], $0x140, $0x38;
	[tilespmem:$0x400] =	vst v63  }
0x23: {  	_ =	swait.ge [sflag:s10], $0x140  }
0x24: {  	[sflag:s10] =	ssyncset.done $0x0  }
0x25: {  	[sflag:s10] =	ssyncadd.s32 $0xFFFFFEC0  }
0x26: {  	_ =	sfence.sel $0x180000  }
0x27: {  	[bflag:$0x0] =	sbarrier.arrive $0xFFFF  }
0x28: {  	p0 =	sne.s32 s0, $0x0;
	_ =	strace $0x90000047  }
0x29: {  	s0 =	sadd.s32 @!p0 $0x100000, s1;
	[bflag:$0x2] =	sbarrier.arrive $0xFFFF  }
0x2a: {  	[sflag:s0] =	ssyncadd.tile.s32 @!p0 $0x1;
	_ =	shalt  }
.Lfunc_end2:
_tile_overlayer_lowered:
.L_overlay_start_2:
0x2b: {  	(tag) =	ssettag $0x2  }
0x2c: {  	s0 =	rddreg [dreg:$0x0];
	s2 =	stileid.u32  }
0x2d: {  	s1 =	rddreg [dreg:$0x1];
	p0 =	sne.s32 s2, $0x0  }
0x2e: {  	s3 =	rddreg [dreg:$0x2];
	[bflag:$0x3] =	sbarrier.arrive $0xFFFF;
	s2 =	simm.s32 @!p0 $0x1C03  }
0x2f: {  	[timem:s3], [sflag:s2] =	dma.local @!p0 [hbm:s0], s1  }
0x30: {  	s0 =	simm.s32 @!p0 $0x3  }
0x31: {  	_ =	swait.ge @!p0 [sflag:s0], s1  }
0x32: {  	s1 =	ssub.s32 @!p0 $0x0, s1;
	[sflag:s0] =	ssyncset.done @!p0 $0x0  }
0x33: {  	[sflag:s0] =	ssyncadd.s32 @!p0 s1  }
0x34: {  	[bflag:$0x3] =	sbarrier.arrive $0xFFFF  }
0x35: {  	_ =	shalt  }

</sc_bundles>
